<compile_context>
chip_gen: v7x
topology: tpu7x:2x2x1
jax: 0.10.2.dev20260603
libtpu: 0.0.44.dev20260713+nightly
codegen_flags: <defaults>
</compile_context>

<pallas_src>
import functools

import jax
import jax.numpy as jnp
from jax import lax
from jax.experimental import pallas as pl
from jax.experimental.pallas import tpu as pltpu
from jax.experimental.pallas import tpu_sc as plsc

N_TYPES = 4
N_DESC = 16
K_MAX = 8
R_C = 6.0

NW = 32
LANES = 16


def _sc_gather(xs, ys, zs, idx_all, npad, nn):
    apw = npad // NW
    epw = nn * apw

    @functools.partial(
        pl.kernel,
        out_type=jax.ShapeDtypeStruct((nn, npad), jnp.float32),
        mesh=plsc.VectorSubcoreMesh(core_axis_name="c", subcore_axis_name="s"),
        compiler_params=pltpu.CompilerParams(
            needs_layout_passes=False, use_tc_tiling_on_sc=False
        ),
        scratch_types=[
            pltpu.VMEM((npad,), jnp.float32),
            pltpu.VMEM((npad,), jnp.float32),
            pltpu.VMEM((npad,), jnp.float32),
            pltpu.VMEM((nn, apw), jnp.int32),
            pltpu.VMEM((nn, apw), jnp.float32),
        ],
    )
    def k(xs_h, ys_h, zs_h, nbr_h, r2_h, xv, yv, zv, iv, r2v):
        wid = lax.axis_index("s") * 2 + lax.axis_index("c")
        base = wid * apw
        pltpu.sync_copy(xs_h, xv)
        pltpu.sync_copy(ys_h, yv)
        pltpu.sync_copy(zs_h, zv)
        pltpu.sync_copy(nbr_h.at[:, pl.ds(base, apw)], iv)

        def chunk_body(c, _):
            a0 = base + c * LANES
            xi = xv[pl.ds(a0, LANES)]
            yi = yv[pl.ds(a0, LANES)]
            zi = zv[pl.ds(a0, LANES)]
            o = c * LANES

            def slot_body(s, _):
                idx = iv[s, pl.ds(o, LANES)]
                xj = plsc.load_gather(xv, [idx])
                yj = plsc.load_gather(yv, [idx])
                zj = plsc.load_gather(zv, [idx])
                dx = xj - xi
                dy = yj - yi
                dz = zj - zi
                r2 = dx * dx + dy * dy + dz * dz
                tj = plsc.bitcast(xj, jnp.int32) & 3
                r2i = (plsc.bitcast(r2, jnp.int32) & ~3) | tj
                r2v[s, pl.ds(o, LANES)] = plsc.bitcast(r2i, jnp.float32)
                return 0

            lax.fori_loop(0, nn, slot_body, 0, unroll=4)
            return 0

        lax.fori_loop(0, apw // LANES, chunk_body, 0)
        pltpu.sync_copy(r2v, r2_h.at[:, pl.ds(base, apw)])

    return k(xs, ys, zs, idx_all)


def _tc_body(r2_ref, ti_ref, c_ref, red_ref, out_ref):
    r2 = r2_ref[...]
    tj = lax.bitcast_convert_type(r2, jnp.int32) & 3
    r = jnp.sqrt(r2)
    rr = r * (1.0 / R_C)
    fc = jnp.where(rr < 1.0, 0.5 * jnp.cos(jnp.pi * rr) + 0.5, 0.0)
    hfc = 0.5 * fc
    x = 2.0 * (rr - 1.0) * (rr - 1.0) - 1.0

    cheb = [jnp.ones_like(x), x]
    for _ in range(2, K_MAX):
        cheb.append(2.0 * x * cheb[-1] - cheb[-2])
    fs = [(t + 1.0) * hfc for t in cheb]

    prods = []
    for t in range(N_TYPES):
        m = (tj == t).astype(jnp.float32)
        for f in fs:
            prods.append(f * m)
    fm = jnp.concatenate(prods, axis=0)
    p = lax.dot_general(red_ref[...], fm, (((1,), (0,)), ((), ())),
                        preferred_element_type=jnp.float32)

    ti = ti_ref[...]
    acc = None
    for t in range(N_TYPES):
        ct = c_ref[t * N_DESC:(t + 1) * N_DESC, :]
        gt = lax.dot_general(ct, p, (((1,), (0,)), ((), ())),
                             preferred_element_type=jnp.float32)
        gt = jnp.where(ti == t, gt, 0.0)
        acc = gt if acc is None else acc + gt
    out_ref[...] = acc


def kernel(types, positions, radial_neighbors, c_table):
    n, nn = radial_neighbors.shape
    apw = -(-n // (NW * LANES)) * LANES
    npad = NW * apw
    epw = nn * apw

    ts = jnp.pad(types.astype(jnp.int32), (0, npad - n))
    xs = jnp.pad(positions[:, 0], (0, npad - n))
    xs = lax.bitcast_convert_type(
        (lax.bitcast_convert_type(xs, jnp.int32) & ~3) | ts, jnp.float32)
    ys = jnp.pad(positions[:, 1], (0, npad - n))
    zs = jnp.pad(positions[:, 2], (0, npad - n))
    nbr = jnp.pad(radial_neighbors.astype(jnp.int32), ((0, npad - n), (0, 0)))
    idx_all = nbr.T

    r2 = _sc_gather(xs, ys, zs, idx_all, npad, nn)
    ti2d = ts.reshape(1, npad)
    c2 = c_table.transpose(0, 2, 1, 3).reshape(N_TYPES * N_DESC, N_TYPES * K_MAX)
    nc = N_TYPES * K_MAX
    red = jnp.kron(jnp.eye(nc, dtype=jnp.float32),
                   jnp.ones((1, nn), dtype=jnp.float32))

    bn = 2048
    grid = (npad // bn,)
    g = pl.pallas_call(
        _tc_body,
        grid=grid,
        in_specs=[
            pl.BlockSpec((nn, bn), lambda j: (0, j)),
            pl.BlockSpec((1, bn), lambda j: (0, j)),
            pl.BlockSpec((N_TYPES * N_DESC, N_TYPES * K_MAX), lambda j: (0, 0)),
            pl.BlockSpec((N_TYPES * K_MAX, N_TYPES * K_MAX * nn), lambda j: (0, 0)),
        ],
        out_specs=pl.BlockSpec((N_DESC, bn), lambda j: (0, j)),
        out_shape=jax.ShapeDtypeStruct((N_DESC, npad), jnp.float32),
    )(r2, ti2d, c2, red)

    return g[:, :n].T

# --- scband reference (transcript-rebuilt; emitter-appended) ---
"""Pipeline reference for scband-radial-descriptor-39728447488457 (READ-ONLY COPY).

The authoritative reference and input builder live on the scoring server;
editing this copy changes nothing except your own understanding.
"""

import jax, jax.numpy as jnp
import numpy as np

N = 10000
NN = 64
N_TYPES = 4
N_DESC = 16
K_MAX = 8
R_C = 6.0


def chebyshev_basis(r, r_c, k_max):
    fc = jnp.where(r < r_c, 0.5 * jnp.cos(jnp.pi * r / r_c) + 0.5, jnp.zeros_like(r))
    x = 2.0 * (r / r_c - 1.0) ** 2 - 1.0
    half_fc = 0.5 * fc
    fn_list = [jnp.ones_like(x)]
    if k_max > 1:
        fn_list.append(x)
        for _ in range(2, k_max):
            fn_list.append(2.0 * x * fn_list[-1] - fn_list[-2])
    fn = jnp.stack(fn_list, axis=-1)
    fn = (fn + 1.0) * half_fc[..., None]
    return fn


def setup_inputs(seed: int = 0) -> dict:
    key = jax.random.key(seed)
    k1, k2, k3, k4 = jax.random.split(key, 4)
    types = jax.random.randint(k1, (N,), 0, N_TYPES)
    positions = jax.random.normal(k2, (N, 3), dtype=jnp.float32)
    nbr = jax.random.randint(k3, (N, NN), 0, N)
    row = jnp.arange(N)[:, None]
    # avoid self-neighbors so no zero-distance edges (keeps norm grad finite)
    nbr = jnp.where(nbr == row, (nbr + 1) % N, nbr)
    c_table = jax.random.normal(k4, (N_TYPES, N_TYPES, N_DESC, K_MAX), dtype=jnp.float32)
    return {"types": types, "positions": positions, "radial_neighbors": nbr, "c_table": c_table}


def reference(types, positions, radial_neighbors, c_table):
    n_atoms, nn_radial = radial_neighbors.shape
    atom_idx = jnp.broadcast_to(jnp.arange(n_atoms)[:, None], (n_atoms, nn_radial)).reshape(-1)
    nbr = radial_neighbors.reshape(-1)
    valid_mask = nbr != -1
    nbr_safe = jnp.where(valid_mask, nbr, 0)
    pos_i = positions[atom_idx]
    pos_j = positions[nbr_safe]
    diff = pos_j - pos_i
    distances = jnp.sqrt(jnp.sum(diff * diff, axis=-1))
    f = chebyshev_basis(distances, R_C, K_MAX)
    type_i = types[atom_idx]
    type_j = types[nbr_safe]
    coeff = c_table[type_i, type_j]  # [E, n_desc, k_max]
    edge_descriptors = jnp.sum(coeff * f[:, None, :], axis=-1)  # [E, n_desc]
    edge_descriptors = edge_descriptors * valid_mask[:, None].astype(edge_descriptors.dtype)
    g = jnp.zeros((n_atoms, N_DESC), dtype=positions.dtype).at[atom_idx].add(edge_descriptors)
    return g

if __name__ == "__main__":
    import jax
    _d = setup_inputs()
    print(jax.jit(kernel)(*tuple(_d.values())))

</pallas_src>

<mosaic_0001>
#map = affine_map<(d0, d1) -> (0)>
#map1 = affine_map<(d0, d1) -> (0, 0)>
module attributes {stable_mosaic.version = 14 : i64} {
  func.func @k(%arg0: i32, %arg1: i32, %arg2: memref<10240xf32, #tpu.memory_space<hbm>>, %arg3: memref<10240xf32, #tpu.memory_space<hbm>>, %arg4: memref<10240xf32, #tpu.memory_space<hbm>>, %arg5: memref<64x10240xi32, #tpu.memory_space<hbm>>, %arg6: memref<64x10240xf32, #tpu.memory_space<hbm>>, %arg7: memref<10240xf32, #tpu.memory_space<vmem>>, %arg8: memref<10240xf32, #tpu.memory_space<vmem>>, %arg9: memref<10240xf32, #tpu.memory_space<vmem>>, %arg10: memref<64x320xi32, #tpu.memory_space<vmem>>, %arg11: memref<64x320xf32, #tpu.memory_space<vmem>>) attributes {dimension_semantics = [#tpu.dimension_semantics<core_parallel>, #tpu.dimension_semantics<subcore_parallel>], iteration_bounds = array<i64: 2, 16>, scalar_prefetch = 0 : i64, scratch_operands = 5 : i64, tpu.core_type = #tpu.core_type<sc_vector_subcore>, window_params = [{transform_indices = #map}, {transform_indices = #map}, {transform_indices = #map}, {transform_indices = #map1}, {transform_indices = #map1}]} {
    %mul3A = arith.constant 2 : i32
    %mul3A_0 = arith.muli %arg1, %mul3A : i32
    %add3A = arith.addi %mul3A_0, %arg0 : i32
    %mul3A_1 = arith.constant 320 : i32
    %mul3A_2 = arith.muli %add3A, %mul3A_1 : i32
    "tpu.region"() ({
      %run_scoped3A = tpu.sem_alloc : memref<!tpu.dma_semaphore, #tpu.memory_space<semaphore_mem>>
      tpu.enqueue_dma source(%arg2 : memref<10240xf32, #tpu.memory_space<hbm>>) target(%arg7 : memref<10240xf32, #tpu.memory_space<vmem>>) target_semaphore(%run_scoped3A : memref<!tpu.dma_semaphore, #tpu.memory_space<semaphore_mem>>)
      tpu.wait_dma2 semaphore(%run_scoped3A : memref<!tpu.dma_semaphore, #tpu.memory_space<semaphore_mem>>) src(%arg2 : memref<10240xf32, #tpu.memory_space<hbm>>) dst(%arg7 : memref<10240xf32, #tpu.memory_space<vmem>>)
      tpu.yield
    }) : () -> ()
    "tpu.region"() ({
      %run_scoped3A = tpu.sem_alloc : memref<!tpu.dma_semaphore, #tpu.memory_space<semaphore_mem>>
      tpu.enqueue_dma source(%arg3 : memref<10240xf32, #tpu.memory_space<hbm>>) target(%arg8 : memref<10240xf32, #tpu.memory_space<vmem>>) target_semaphore(%run_scoped3A : memref<!tpu.dma_semaphore, #tpu.memory_space<semaphore_mem>>)
      tpu.wait_dma2 semaphore(%run_scoped3A : memref<!tpu.dma_semaphore, #tpu.memory_space<semaphore_mem>>) src(%arg3 : memref<10240xf32, #tpu.memory_space<hbm>>) dst(%arg8 : memref<10240xf32, #tpu.memory_space<vmem>>)
      tpu.yield
    }) : () -> ()
    "tpu.region"() ({
      %run_scoped3A = tpu.sem_alloc : memref<!tpu.dma_semaphore, #tpu.memory_space<semaphore_mem>>
      tpu.enqueue_dma source(%arg4 : memref<10240xf32, #tpu.memory_space<hbm>>) target(%arg9 : memref<10240xf32, #tpu.memory_space<vmem>>) target_semaphore(%run_scoped3A : memref<!tpu.dma_semaphore, #tpu.memory_space<semaphore_mem>>)
      tpu.wait_dma2 semaphore(%run_scoped3A : memref<!tpu.dma_semaphore, #tpu.memory_space<semaphore_mem>>) src(%arg4 : memref<10240xf32, #tpu.memory_space<hbm>>) dst(%arg9 : memref<10240xf32, #tpu.memory_space<vmem>>)
      tpu.yield
    }) : () -> ()
    "tpu.region"() ({
      %run_scoped3A = tpu.sem_alloc : memref<!tpu.dma_semaphore, #tpu.memory_space<semaphore_mem>>
      %dma_start3A = arith.constant 0 : i32
      %dma_start3A_9 = tpu.memref_slice %arg5[%dma_start3A, %mul3A_2] : memref<64x10240xi32, #tpu.memory_space<hbm>> -> memref<64x320xi32, #tpu.memory_space<hbm>>
      %dma_start3A_10 = arith.constant 0 : i32
      %dma_start3A_11 = tpu.memref_slice %arg5[%dma_start3A_10, %mul3A_2] : memref<64x10240xi32, #tpu.memory_space<hbm>> -> memref<64x320xi32, #tpu.memory_space<hbm>>
      tpu.enqueue_dma source(%dma_start3A_11 : memref<64x320xi32, #tpu.memory_space<hbm>>) target(%arg10 : memref<64x320xi32, #tpu.memory_space<vmem>>) target_semaphore(%run_scoped3A : memref<!tpu.dma_semaphore, #tpu.memory_space<semaphore_mem>>)
      %dma_wait3A = arith.constant 0 : i32
      %dma_wait3A_12 = tpu.memref_slice %arg5[%dma_wait3A, %mul3A_2] : memref<64x10240xi32, #tpu.memory_space<hbm>> -> memref<64x320xi32, #tpu.memory_space<hbm>>
      %dma_wait3A_13 = arith.constant 0 : i32
      %dma_wait3A_14 = tpu.memref_slice %arg5[%dma_wait3A_13, %mul3A_2] : memref<64x10240xi32, #tpu.memory_space<hbm>> -> memref<64x320xi32, #tpu.memory_space<hbm>>
      tpu.wait_dma2 semaphore(%run_scoped3A : memref<!tpu.dma_semaphore, #tpu.memory_space<semaphore_mem>>) src(%dma_wait3A_14 : memref<64x320xi32, #tpu.memory_space<hbm>>) dst(%arg10 : memref<64x320xi32, #tpu.memory_space<vmem>>)
      tpu.yield
    }) : () -> ()
    %scan3A = arith.constant 0 : i32
    %scan3A_3 = arith.constant 0 : i32
    %scan3A_4 = arith.constant 20 : i32
    %scan3A_5 = arith.addi %scan3A_3, %scan3A_4 : i32
    %scan3A_6 = arith.constant 1 : i32
    %scan3A_7 = scf.for %scan3A_9 = %scan3A_3 to %scan3A_5 step %scan3A_6 iter_args(%scan3A_10 = %scan3A) -> (i32)  : i32 {
      %mul3A_11 = arith.constant 16 : i32
      %mul3A_12 = arith.muli %scan3A_9, %mul3A_11 : i32
      %add3A_13 = arith.addi %mul3A_2, %mul3A_12 : i32
      %get3A = arith.index_cast %add3A_13 : i32 to index
      %get3A_14 = tpu.vector_load %arg7[%get3A] {strides = array<i32>} : memref<10240xf32, #tpu.memory_space<vmem>>, vector<16xf32>,
      %get3A_15 = arith.index_cast %add3A_13 : i32 to index
      %get3A_16 = tpu.vector_load %arg8[%get3A_15] {strides = array<i32>} : memref<10240xf32, #tpu.memory_space<vmem>>, vector<16xf32>,
      %get3A_17 = arith.index_cast %add3A_13 : i32 to index
      %get3A_18 = tpu.vector_load %arg9[%get3A_17] {strides = array<i32>} : memref<10240xf32, #tpu.memory_space<vmem>>, vector<16xf32>,
      %mul3A_19 = arith.constant 16 : i32
      %mul3A_20 = arith.muli %scan3A_9, %mul3A_19 : i32
      %scan3A_21 = arith.constant 0 : i32
      %scan3A_22 = arith.constant 0 : i32
      %scan3A_23 = arith.constant 64 : i32
      %scan3A_24 = arith.addi %scan3A_22, %scan3A_23 : i32
      %scan3A_25 = arith.constant 4 : i32
      %scan3A_26 = scf.for %scan3A_29 = %scan3A_22 to %scan3A_24 step %scan3A_25 iter_args(%scan3A_30 = %scan3A_21) -> (i32)  : i32 {
        %get3A_31 = arith.index_cast %scan3A_29 : i32 to index
        %get3A_32 = arith.index_cast %mul3A_20 : i32 to index
        %get3A_33 = tpu.vector_load %arg10[%get3A_31, %get3A_32] {strides = array<i32>} : memref<64x320xi32, #tpu.memory_space<vmem>>, vector<16xi32>,
        %gather3A = tpu.vector_load_idx %arg7[%get3A_33] : memref<10240xf32, #tpu.memory_space<vmem>>[vector<16xi32>], vector<16xf32>,
        %gather3A_34 = tpu.vector_load_idx %arg8[%get3A_33] : memref<10240xf32, #tpu.memory_space<vmem>>[vector<16xi32>], vector<16xf32>,
        %gather3A_35 = tpu.vector_load_idx %arg9[%get3A_33] : memref<10240xf32, #tpu.memory_space<vmem>>[vector<16xi32>], vector<16xf32>,
        %sub3A = arith.subf %gather3A, %get3A_14 : vector<16xf32>
        %sub3A_36 = arith.subf %gather3A_34, %get3A_16 : vector<16xf32>
        %sub3A_37 = arith.subf %gather3A_35, %get3A_18 : vector<16xf32>
        %mul3A_38 = arith.mulf %sub3A, %sub3A : vector<16xf32>
        %mul3A_39 = arith.mulf %sub3A_36, %sub3A_36 : vector<16xf32>
        %add3A_40 = arith.addf %mul3A_38, %mul3A_39 : vector<16xf32>
        %mul3A_41 = arith.mulf %sub3A_37, %sub3A_37 : vector<16xf32>
        %add3A_42 = arith.addf %add3A_40, %mul3A_41 : vector<16xf32>
        %bitcast3A = vector.bitcast %gather3A : vector<16xf32> to vector<16xi32>
        %and3A = arith.constant 3 : i32
        %and3A_43 = vector.broadcast %and3A : i32 to vector<16xi32>
        %and3A_44 = arith.andi %bitcast3A, %and3A_43 : vector<16xi32>
        %bitcast3A_45 = vector.bitcast %add3A_42 : vector<16xf32> to vector<16xi32>
        %and3A_46 = arith.constant -4 : i32
        %and3A_47 = vector.broadcast %and3A_46 : i32 to vector<16xi32>
        %and3A_48 = arith.andi %bitcast3A_45, %and3A_47 : vector<16xi32>
        %or3A = arith.ori %and3A_48, %and3A_44 : vector<16xi32>
        %bitcast3A_49 = vector.bitcast %or3A : vector<16xi32> to vector<16xf32>
        %swap3A = arith.index_cast %scan3A_29 : i32 to index
        %swap3A_50 = arith.index_cast %mul3A_20 : i32 to index
        %swap3A_51 = tpu.vector_load %arg11[%swap3A, %swap3A_50] {strides = array<i32>} : memref<64x320xf32, #tpu.memory_space<vmem>>, vector<16xf32>,
        tpu.vector_store %arg11[%swap3A, %swap3A_50], %bitcast3A_49 {strides = array<i32>} : memref<64x320xf32, #tpu.memory_space<vmem>>, vector<16xf32>,
        %scan3A_52 = arith.constant 0 : i32
        %scan3A_53 = arith.constant 1 : i32
        %scan3A_54 = arith.addi %scan3A_29, %scan3A_53 : i32
        %get3A_55 = arith.index_cast %scan3A_54 : i32 to index
        %get3A_56 = arith.index_cast %mul3A_20 : i32 to index
        %get3A_57 = tpu.vector_load %arg10[%get3A_55, %get3A_56] {strides = array<i32>} : memref<64x320xi32, #tpu.memory_space<vmem>>, vector<16xi32>,
        %gather3A_58 = tpu.vector_load_idx %arg7[%get3A_57] : memref<10240xf32, #tpu.memory_space<vmem>>[vector<16xi32>], vector<16xf32>,
        %gather3A_59 = tpu.vector_load_idx %arg8[%get3A_57] : memref<10240xf32, #tpu.memory_space<vmem>>[vector<16xi32>], vector<16xf32>,
        %gather3A_60 = tpu.vector_load_idx %arg9[%get3A_57] : memref<10240xf32, #tpu.memory_space<vmem>>[vector<16xi32>], vector<16xf32>,
        %sub3A_61 = arith.subf %gather3A_58, %get3A_14 : vector<16xf32>
        %sub3A_62 = arith.subf %gather3A_59, %get3A_16 : vector<16xf32>
        %sub3A_63 = arith.subf %gather3A_60, %get3A_18 : vector<16xf32>
        %mul3A_64 = arith.mulf %sub3A_61, %sub3A_61 : vector<16xf32>
        %mul3A_65 = arith.mulf %sub3A_62, %sub3A_62 : vector<16xf32>
        %add3A_66 = arith.addf %mul3A_64, %mul3A_65 : vector<16xf32>
        %mul3A_67 = arith.mulf %sub3A_63, %sub3A_63 : vector<16xf32>
        %add3A_68 = arith.addf %add3A_66, %mul3A_67 : vector<16xf32>
        %bitcast3A_69 = vector.bitcast %gather3A_58 : vector<16xf32> to vector<16xi32>
        %and3A_70 = arith.constant 3 : i32
        %and3A_71 = vector.broadcast %and3A_70 : i32 to vector<16xi32>
        %and3A_72 = arith.andi %bitcast3A_69, %and3A_71 : vector<16xi32>
        %bitcast3A_73 = vector.bitcast %add3A_68 : vector<16xf32> to vector<16xi32>
        %and3A_74 = arith.constant -4 : i32
        %and3A_75 = vector.broadcast %and3A_74 : i32 to vector<16xi32>
        %and3A_76 = arith.andi %bitcast3A_73, %and3A_75 : vector<16xi32>
        %or3A_77 = arith.ori %and3A_76, %and3A_72 : vector<16xi32>
        %bitcast3A_78 = vector.bitcast %or3A_77 : vector<16xi32> to vector<16xf32>
        %swap3A_79 = arith.index_cast %scan3A_54 : i32 to index
        %swap3A_80 = arith.index_cast %mul3A_20 : i32 to index
        %swap3A_81 = tpu.vector_load %arg11[%swap3A_79, %swap3A_80] {strides = array<i32>} : memref<64x320xf32, #tpu.memory_space<vmem>>, vector<16xf32>,
        tpu.vector_store %arg11[%swap3A_79, %swap3A_80], %bitcast3A_78 {strides = array<i32>} : memref<64x320xf32, #tpu.memory_space<vmem>>, vector<16xf32>,
        %scan3A_82 = arith.constant 0 : i32
        %scan3A_83 = arith.constant 2 : i32
        %scan3A_84 = arith.addi %scan3A_29, %scan3A_83 : i32
        %get3A_85 = arith.index_cast %scan3A_84 : i32 to index
        %get3A_86 = arith.index_cast %mul3A_20 : i32 to index
        %get3A_87 = tpu.vector_load %arg10[%get3A_85, %get3A_86] {strides = array<i32>} : memref<64x320xi32, #tpu.memory_space<vmem>>, vector<16xi32>,
        %gather3A_88 = tpu.vector_load_idx %arg7[%get3A_87] : memref<10240xf32, #tpu.memory_space<vmem>>[vector<16xi32>], vector<16xf32>,
        %gather3A_89 = tpu.vector_load_idx %arg8[%get3A_87] : memref<10240xf32, #tpu.memory_space<vmem>>[vector<16xi32>], vector<16xf32>,
        %gather3A_90 = tpu.vector_load_idx %arg9[%get3A_87] : memref<10240xf32, #tpu.memory_space<vmem>>[vector<16xi32>], vector<16xf32>,
        %sub3A_91 = arith.subf %gather3A_88, %get3A_14 : vector<16xf32>
        %sub3A_92 = arith.subf %gather3A_89, %get3A_16 : vector<16xf32>
        %sub3A_93 = arith.subf %gather3A_90, %get3A_18 : vector<16xf32>
        %mul3A_94 = arith.mulf %sub3A_91, %sub3A_91 : vector<16xf32>
        %mul3A_95 = arith.mulf %sub3A_92, %sub3A_92 : vector<16xf32>
        %add3A_96 = arith.addf %mul3A_94, %mul3A_95 : vector<16xf32>
        %mul3A_97 = arith.mulf %sub3A_93, %sub3A_93 : vector<16xf32>
        %add3A_98 = arith.addf %add3A_96, %mul3A_97 : vector<16xf32>
        %bitcast3A_99 = vector.bitcast %gather3A_88 : vector<16xf32> to vector<16xi32>
        %and3A_100 = arith.constant 3 : i32
        %and3A_101 = vector.broadcast %and3A_100 : i32 to vector<16xi32>
        %and3A_102 = arith.andi %bitcast3A_99, %and3A_101 : vector<16xi32>
        %bitcast3A_103 = vector.bitcast %add3A_98 : vector<16xf32> to vector<16xi32>
        %and3A_104 = arith.constant -4 : i32
        %and3A_105 = vector.broadcast %and3A_104 : i32 to vector<16xi32>
        %and3A_106 = arith.andi %bitcast3A_103, %and3A_105 : vector<16xi32>
        %or3A_107 = arith.ori %and3A_106, %and3A_102 : vector<16xi32>
        %bitcast3A_108 = vector.bitcast %or3A_107 : vector<16xi32> to vector<16xf32>
        %swap3A_109 = arith.index_cast %scan3A_84 : i32 to index
        %swap3A_110 = arith.index_cast %mul3A_20 : i32 to index
        %swap3A_111 = tpu.vector_load %arg11[%swap3A_109, %swap3A_110] {strides = array<i32>} : memref<64x320xf32, #tpu.memory_space<vmem>>, vector<16xf32>,
        tpu.vector_store %arg11[%swap3A_109, %swap3A_110], %bitcast3A_108 {strides = array<i32>} : memref<64x320xf32, #tpu.memory_space<vmem>>, vector<16xf32>,
        %scan3A_112 = arith.constant 0 : i32
        %scan3A_113 = arith.constant 3 : i32
        %scan3A_114 = arith.addi %scan3A_29, %scan3A_113 : i32
        %get3A_115 = arith.index_cast %scan3A_114 : i32 to index
        %get3A_116 = arith.index_cast %mul3A_20 : i32 to index
        %get3A_117 = tpu.vector_load %arg10[%get3A_115, %get3A_116] {strides = array<i32>} : memref<64x320xi32, #tpu.memory_space<vmem>>, vector<16xi32>,
        %gather3A_118 = tpu.vector_load_idx %arg7[%get3A_117] : memref<10240xf32, #tpu.memory_space<vmem>>[vector<16xi32>], vector<16xf32>,
        %gather3A_119 = tpu.vector_load_idx %arg8[%get3A_117] : memref<10240xf32, #tpu.memory_space<vmem>>[vector<16xi32>], vector<16xf32>,
        %gather3A_120 = tpu.vector_load_idx %arg9[%get3A_117] : memref<10240xf32, #tpu.memory_space<vmem>>[vector<16xi32>], vector<16xf32>,
        %sub3A_121 = arith.subf %gather3A_118, %get3A_14 : vector<16xf32>
        %sub3A_122 = arith.subf %gather3A_119, %get3A_16 : vector<16xf32>
        %sub3A_123 = arith.subf %gather3A_120, %get3A_18 : vector<16xf32>
        %mul3A_124 = arith.mulf %sub3A_121, %sub3A_121 : vector<16xf32>
        %mul3A_125 = arith.mulf %sub3A_122, %sub3A_122 : vector<16xf32>
        %add3A_126 = arith.addf %mul3A_124, %mul3A_125 : vector<16xf32>
        %mul3A_127 = arith.mulf %sub3A_123, %sub3A_123 : vector<16xf32>
        %add3A_128 = arith.addf %add3A_126, %mul3A_127 : vector<16xf32>
        %bitcast3A_129 = vector.bitcast %gather3A_118 : vector<16xf32> to vector<16xi32>
        %and3A_130 = arith.constant 3 : i32
        %and3A_131 = vector.broadcast %and3A_130 : i32 to vector<16xi32>
        %and3A_132 = arith.andi %bitcast3A_129, %and3A_131 : vector<16xi32>
        %bitcast3A_133 = vector.bitcast %add3A_128 : vector<16xf32> to vector<16xi32>
        %and3A_134 = arith.constant -4 : i32
        %and3A_135 = vector.broadcast %and3A_134 : i32 to vector<16xi32>
        %and3A_136 = arith.andi %bitcast3A_133, %and3A_135 : vector<16xi32>
        %or3A_137 = arith.ori %and3A_136, %and3A_132 : vector<16xi32>
        %bitcast3A_138 = vector.bitcast %or3A_137 : vector<16xi32> to vector<16xf32>
        %swap3A_139 = arith.index_cast %scan3A_114 : i32 to index
        %swap3A_140 = arith.index_cast %mul3A_20 : i32 to index
        %swap3A_141 = tpu.vector_load %arg11[%swap3A_139, %swap3A_140] {strides = array<i32>} : memref<64x320xf32, #tpu.memory_space<vmem>>, vector<16xf32>,
        tpu.vector_store %arg11[%swap3A_139, %swap3A_140], %bitcast3A_138 {strides = array<i32>} : memref<64x320xf32, #tpu.memory_space<vmem>>, vector<16xf32>,
        %scan3A_142 = arith.constant 0 : i32
        scf.yield %scan3A_142 : i32
      }
      %scan3A_27 = arith.constant 64 : i32
      %scan3A_28 = arith.constant 0 : i32
      scf.yield %scan3A_28 : i32
    }
    %scan3A_8 = arith.constant 20 : i32
    "tpu.region"() ({
      %run_scoped3A = tpu.sem_alloc : memref<!tpu.dma_semaphore, #tpu.memory_space<semaphore_mem>>
      %dma_start3A = arith.constant 0 : i32
      %dma_start3A_9 = tpu.memref_slice %arg6[%dma_start3A, %mul3A_2] : memref<64x10240xf32, #tpu.memory_space<hbm>> -> memref<64x320xf32, #tpu.memory_space<hbm>>
      %dma_start3A_10 = arith.constant 0 : i32
      %dma_start3A_11 = tpu.memref_slice %arg6[%dma_start3A_10, %mul3A_2] : memref<64x10240xf32, #tpu.memory_space<hbm>> -> memref<64x320xf32, #tpu.memory_space<hbm>>
      tpu.enqueue_dma source(%arg11 : memref<64x320xf32, #tpu.memory_space<vmem>>) target(%dma_start3A_11 : memref<64x320xf32, #tpu.memory_space<hbm>>) target_semaphore(%run_scoped3A : memref<!tpu.dma_semaphore, #tpu.memory_space<semaphore_mem>>)
      %dma_wait3A = arith.constant 0 : i32
      %dma_wait3A_12 = tpu.memref_slice %arg6[%dma_wait3A, %mul3A_2] : memref<64x10240xf32, #tpu.memory_space<hbm>> -> memref<64x320xf32, #tpu.memory_space<hbm>>
      %dma_wait3A_13 = arith.constant 0 : i32
      %dma_wait3A_14 = tpu.memref_slice %arg6[%dma_wait3A_13, %mul3A_2] : memref<64x10240xf32, #tpu.memory_space<hbm>> -> memref<64x320xf32, #tpu.memory_space<hbm>>
      tpu.wait_dma2 semaphore(%run_scoped3A : memref<!tpu.dma_semaphore, #tpu.memory_space<semaphore_mem>>) src(%arg11 : memref<64x320xf32, #tpu.memory_space<vmem>>) dst(%dma_wait3A_14 : memref<64x320xf32, #tpu.memory_space<hbm>>)
      tpu.yield
    }) : () -> ()
    return
  }
}

module attributes {stable_mosaic.version = 14 : i64} {
  func.func @_tc_body(%arg0: i32, %arg1: memref<64x2048xf32, #tpu.memory_space<vmem>>, %arg2: memref<1x2048xi32, #tpu.memory_space<vmem>>, %arg3: memref<64x32xf32, #tpu.memory_space<vmem>>, %arg4: memref<32x2048xf32, #tpu.memory_space<vmem>>, %arg5: memref<16x2048xf32, #tpu.memory_space<vmem>>) attributes {dimension_semantics = [#tpu.dimension_semantics<arbitrary>], iteration_bounds = array<i64: 5>, scalar_prefetch = 0 : i64, scratch_operands = 0 : i64, tpu.core_type = #tpu.core_type<tc>, window_params = [{transform_indices = @transform_0, window_bounds = array<i64: 64, 2048>}, {transform_indices = @transform_1, window_bounds = array<i64: 1, 2048>}, {pipeline_mode = #tpu.pipeline_mode<synchronous>, transform_indices = @transform_2, window_bounds = array<i64: 64, 32>}, {pipeline_mode = #tpu.pipeline_mode<synchronous>, transform_indices = @transform_3, window_bounds = array<i64: 32, 2048>}, {transform_indices = @transform_4, window_bounds = array<i64: 16, 2048>}]} {
    %get3A = arith.constant 0 : index
    %get3A_0 = arith.constant 0 : index
    %get3A_1 = vector.load %arg1[%get3A, %get3A_0] : memref<64x2048xf32, #tpu.memory_space<vmem>>, vector<64x2048xf32>
    %bitcast_convert_type3A = tpu.bitcast %get3A_1 : vector<64x2048xf32> -> vector<64x2048xi32>
    %and3A = arith.constant 3 : i32
    %and3A_2 = vector.broadcast %and3A : i32 to vector<64x2048xi32>
    %and3A_3 = arith.andi %bitcast_convert_type3A, %and3A_2 : vector<64x2048xi32>
    %sqrt3A = math.sqrt %get3A_1 : vector<64x2048xf32>
    %mul3A = arith.constant 0.166666672 : f32
    %mul3A_4 = vector.broadcast %mul3A : f32 to vector<64x2048xf32>
    %mul3A_5 = arith.mulf %sqrt3A, %mul3A_4 : vector<64x2048xf32>
    %lt3A = arith.constant 1.000000e+00 : f32
    %lt3A_6 = vector.broadcast %lt3A : f32 to vector<64x2048xf32>
    %lt3A_7 = arith.cmpf olt, %mul3A_5, %lt3A_6 : vector<64x2048xf32>
    %mul3A_8 = arith.constant 3.14159274 : f32
    %mul3A_9 = vector.broadcast %mul3A_8 : f32 to vector<64x2048xf32>
    %mul3A_10 = arith.mulf %mul3A_9, %mul3A_5 : vector<64x2048xf32>
    %cos3A = math.cos %mul3A_10 : vector<64x2048xf32>
    %mul3A_11 = arith.constant 5.000000e-01 : f32
    %mul3A_12 = vector.broadcast %mul3A_11 : f32 to vector<64x2048xf32>
    %mul3A_13 = arith.mulf %mul3A_12, %cos3A : vector<64x2048xf32>
    %add3A = arith.constant 5.000000e-01 : f32
    %add3A_14 = vector.broadcast %add3A : f32 to vector<64x2048xf32>
    %add3A_15 = arith.addf %mul3A_13, %add3A_14 : vector<64x2048xf32>
    %jit3A = arith.constant 0.000000e+00 : f32
    %broadcast_in_dim3A = vector.broadcast %jit3A : f32 to vector<64x2048xf32>
    %select_n3A = arith.select %lt3A_7, %add3A_15, %broadcast_in_dim3A : vector<64x2048xi1>, vector<64x2048xf32>
    %mul3A_16 = arith.constant 5.000000e-01 : f32
    %mul3A_17 = vector.broadcast %mul3A_16 : f32 to vector<64x2048xf32>
    %mul3A_18 = arith.mulf %mul3A_17, %select_n3A : vector<64x2048xf32>
    %sub3A = arith.constant 1.000000e+00 : f32
    %sub3A_19 = vector.broadcast %sub3A : f32 to vector<64x2048xf32>
    %sub3A_20 = arith.subf %mul3A_5, %sub3A_19 : vector<64x2048xf32>
    %mul3A_21 = arith.constant 2.000000e+00 : f32
    %mul3A_22 = vector.broadcast %mul3A_21 : f32 to vector<64x2048xf32>
    %mul3A_23 = arith.mulf %mul3A_22, %sub3A_20 : vector<64x2048xf32>
    %sub3A_24 = arith.constant 1.000000e+00 : f32
    %sub3A_25 = vector.broadcast %sub3A_24 : f32 to vector<64x2048xf32>
    %sub3A_26 = arith.subf %mul3A_5, %sub3A_25 : vector<64x2048xf32>
    %mul3A_27 = arith.mulf %mul3A_23, %sub3A_26 : vector<64x2048xf32>
    %sub3A_28 = arith.constant 1.000000e+00 : f32
    %sub3A_29 = vector.broadcast %sub3A_28 : f32 to vector<64x2048xf32>
    %sub3A_30 = arith.subf %mul3A_27, %sub3A_29 : vector<64x2048xf32>
    %broadcast_in_dim3A_31 = arith.constant 1.000000e+00 : f32
    %broadcast_in_dim3A_32 = vector.broadcast %broadcast_in_dim3A_31 : f32 to vector<64x2048xf32>
    %mul3A_33 = arith.constant 2.000000e+00 : f32
    %mul3A_34 = vector.broadcast %mul3A_33 : f32 to vector<64x2048xf32>
    %mul3A_35 = arith.mulf %mul3A_34, %sub3A_30 : vector<64x2048xf32>
    %mul3A_36 = arith.mulf %mul3A_35, %sub3A_30 : vector<64x2048xf32>
    %sub3A_37 = arith.subf %mul3A_36, %broadcast_in_dim3A_32 : vector<64x2048xf32>
    %mul3A_38 = arith.constant 2.000000e+00 : f32
    %mul3A_39 = vector.broadcast %mul3A_38 : f32 to vector<64x2048xf32>
    %mul3A_40 = arith.mulf %mul3A_39, %sub3A_30 : vector<64x2048xf32>
    %mul3A_41 = arith.mulf %mul3A_40, %sub3A_37 : vector<64x2048xf32>
    %sub3A_42 = arith.subf %mul3A_41, %sub3A_30 : vector<64x2048xf32>
    %mul3A_43 = arith.constant 2.000000e+00 : f32
    %mul3A_44 = vector.broadcast %mul3A_43 : f32 to vector<64x2048xf32>
    %mul3A_45 = arith.mulf %mul3A_44, %sub3A_30 : vector<64x2048xf32>
    %mul3A_46 = arith.mulf %mul3A_45, %sub3A_42 : vector<64x2048xf32>
    %sub3A_47 = arith.subf %mul3A_46, %sub3A_37 : vector<64x2048xf32>
    %mul3A_48 = arith.constant 2.000000e+00 : f32
    %mul3A_49 = vector.broadcast %mul3A_48 : f32 to vector<64x2048xf32>
    %mul3A_50 = arith.mulf %mul3A_49, %sub3A_30 : vector<64x2048xf32>
    %mul3A_51 = arith.mulf %mul3A_50, %sub3A_47 : vector<64x2048xf32>
    %sub3A_52 = arith.subf %mul3A_51, %sub3A_42 : vector<64x2048xf32>
    %mul3A_53 = arith.constant 2.000000e+00 : f32
    %mul3A_54 = vector.broadcast %mul3A_53 : f32 to vector<64x2048xf32>
    %mul3A_55 = arith.mulf %mul3A_54, %sub3A_30 : vector<64x2048xf32>
    %mul3A_56 = arith.mulf %mul3A_55, %sub3A_52 : vector<64x2048xf32>
    %sub3A_57 = arith.subf %mul3A_56, %sub3A_47 : vector<64x2048xf32>
    %mul3A_58 = arith.constant 2.000000e+00 : f32
    %mul3A_59 = vector.broadcast %mul3A_58 : f32 to vector<64x2048xf32>
    %mul3A_60 = arith.mulf %mul3A_59, %sub3A_30 : vector<64x2048xf32>
    %mul3A_61 = arith.mulf %mul3A_60, %sub3A_57 : vector<64x2048xf32>
    %sub3A_62 = arith.subf %mul3A_61, %sub3A_52 : vector<64x2048xf32>
    %add3A_63 = arith.constant 1.000000e+00 : f32
    %add3A_64 = vector.broadcast %add3A_63 : f32 to vector<64x2048xf32>
    %add3A_65 = arith.addf %broadcast_in_dim3A_32, %add3A_64 : vector<64x2048xf32>
    %mul3A_66 = arith.mulf %add3A_65, %mul3A_18 : vector<64x2048xf32>
    %add3A_67 = arith.constant 1.000000e+00 : f32
    %add3A_68 = vector.broadcast %add3A_67 : f32 to vector<64x2048xf32>
    %add3A_69 = arith.addf %sub3A_30, %add3A_68 : vector<64x2048xf32>
    %mul3A_70 = arith.mulf %add3A_69, %mul3A_18 : vector<64x2048xf32>
    %add3A_71 = arith.constant 1.000000e+00 : f32
    %add3A_72 = vector.broadcast %add3A_71 : f32 to vector<64x2048xf32>
    %add3A_73 = arith.addf %sub3A_37, %add3A_72 : vector<64x2048xf32>
    %mul3A_74 = arith.mulf %add3A_73, %mul3A_18 : vector<64x2048xf32>
    %add3A_75 = arith.constant 1.000000e+00 : f32
    %add3A_76 = vector.broadcast %add3A_75 : f32 to vector<64x2048xf32>
    %add3A_77 = arith.addf %sub3A_42, %add3A_76 : vector<64x2048xf32>
    %mul3A_78 = arith.mulf %add3A_77, %mul3A_18 : vector<64x2048xf32>
    %add3A_79 = arith.constant 1.000000e+00 : f32
    %add3A_80 = vector.broadcast %add3A_79 : f32 to vector<64x2048xf32>
    %add3A_81 = arith.addf %sub3A_47, %add3A_80 : vector<64x2048xf32>
    %mul3A_82 = arith.mulf %add3A_81, %mul3A_18 : vector<64x2048xf32>
    %add3A_83 = arith.constant 1.000000e+00 : f32
    %add3A_84 = vector.broadcast %add3A_83 : f32 to vector<64x2048xf32>
    %add3A_85 = arith.addf %sub3A_52, %add3A_84 : vector<64x2048xf32>
    %mul3A_86 = arith.mulf %add3A_85, %mul3A_18 : vector<64x2048xf32>
    %add3A_87 = arith.constant 1.000000e+00 : f32
    %add3A_88 = vector.broadcast %add3A_87 : f32 to vector<64x2048xf32>
    %add3A_89 = arith.addf %sub3A_57, %add3A_88 : vector<64x2048xf32>
    %mul3A_90 = arith.mulf %add3A_89, %mul3A_18 : vector<64x2048xf32>
    %add3A_91 = arith.constant 1.000000e+00 : f32
    %add3A_92 = vector.broadcast %add3A_91 : f32 to vector<64x2048xf32>
    %add3A_93 = arith.addf %sub3A_62, %add3A_92 : vector<64x2048xf32>
    %mul3A_94 = arith.mulf %add3A_93, %mul3A_18 : vector<64x2048xf32>
    %eq3A = arith.constant 0 : i32
    %eq3A_95 = vector.broadcast %eq3A : i32 to vector<64x2048xi32>
    %eq3A_96 = arith.cmpi eq, %and3A_3, %eq3A_95 : vector<64x2048xi32>
    %convert_element_type3A = arith.extui %eq3A_96 : vector<64x2048xi1> to vector<64x2048xi32>
    %convert_element_type3A_97 = arith.sitofp %convert_element_type3A : vector<64x2048xi32> to vector<64x2048xf32>
    %mul3A_98 = arith.mulf %mul3A_66, %convert_element_type3A_97 : vector<64x2048xf32>
    %mul3A_99 = arith.mulf %mul3A_70, %convert_element_type3A_97 : vector<64x2048xf32>
    %mul3A_100 = arith.mulf %mul3A_74, %convert_element_type3A_97 : vector<64x2048xf32>
    %mul3A_101 = arith.mulf %mul3A_78, %convert_element_type3A_97 : vector<64x2048xf32>
    %mul3A_102 = arith.mulf %mul3A_82, %convert_element_type3A_97 : vector<64x2048xf32>
    %mul3A_103 = arith.mulf %mul3A_86, %convert_element_type3A_97 : vector<64x2048xf32>
    %mul3A_104 = arith.mulf %mul3A_90, %convert_element_type3A_97 : vector<64x2048xf32>
    %mul3A_105 = arith.mulf %mul3A_94, %convert_element_type3A_97 : vector<64x2048xf32>
    %eq3A_106 = arith.constant 1 : i32
    %eq3A_107 = vector.broadcast %eq3A_106 : i32 to vector<64x2048xi32>
    %eq3A_108 = arith.cmpi eq, %and3A_3, %eq3A_107 : vector<64x2048xi32>
    %convert_element_type3A_109 = arith.extui %eq3A_108 : vector<64x2048xi1> to vector<64x2048xi32>
    %convert_element_type3A_110 = arith.sitofp %convert_element_type3A_109 : vector<64x2048xi32> to vector<64x2048xf32>
    %mul3A_111 = arith.mulf %mul3A_66, %convert_element_type3A_110 : vector<64x2048xf32>
    %mul3A_112 = arith.mulf %mul3A_70, %convert_element_type3A_110 : vector<64x2048xf32>
    %mul3A_113 = arith.mulf %mul3A_74, %convert_element_type3A_110 : vector<64x2048xf32>
    %mul3A_114 = arith.mulf %mul3A_78, %convert_element_type3A_110 : vector<64x2048xf32>
    %mul3A_115 = arith.mulf %mul3A_82, %convert_element_type3A_110 : vector<64x2048xf32>
    %mul3A_116 = arith.mulf %mul3A_86, %convert_element_type3A_110 : vector<64x2048xf32>
    %mul3A_117 = arith.mulf %mul3A_90, %convert_element_type3A_110 : vector<64x2048xf32>
    %mul3A_118 = arith.mulf %mul3A_94, %convert_element_type3A_110 : vector<64x2048xf32>
    %eq3A_119 = arith.constant 2 : i32
    %eq3A_120 = vector.broadcast %eq3A_119 : i32 to vector<64x2048xi32>
    %eq3A_121 = arith.cmpi eq, %and3A_3, %eq3A_120 : vector<64x2048xi32>
    %convert_element_type3A_122 = arith.extui %eq3A_121 : vector<64x2048xi1> to vector<64x2048xi32>
    %convert_element_type3A_123 = arith.sitofp %convert_element_type3A_122 : vector<64x2048xi32> to vector<64x2048xf32>
    %mul3A_124 = arith.mulf %mul3A_66, %convert_element_type3A_123 : vector<64x2048xf32>
    %mul3A_125 = arith.mulf %mul3A_70, %convert_element_type3A_123 : vector<64x2048xf32>
    %mul3A_126 = arith.mulf %mul3A_74, %convert_element_type3A_123 : vector<64x2048xf32>
    %mul3A_127 = arith.mulf %mul3A_78, %convert_element_type3A_123 : vector<64x2048xf32>
    %mul3A_128 = arith.mulf %mul3A_82, %convert_element_type3A_123 : vector<64x2048xf32>
    %mul3A_129 = arith.mulf %mul3A_86, %convert_element_type3A_123 : vector<64x2048xf32>
    %mul3A_130 = arith.mulf %mul3A_90, %convert_element_type3A_123 : vector<64x2048xf32>
    %mul3A_131 = arith.mulf %mul3A_94, %convert_element_type3A_123 : vector<64x2048xf32>
    %eq3A_132 = arith.constant 3 : i32
    %eq3A_133 = vector.broadcast %eq3A_132 : i32 to vector<64x2048xi32>
    %eq3A_134 = arith.cmpi eq, %and3A_3, %eq3A_133 : vector<64x2048xi32>
    %convert_element_type3A_135 = arith.extui %eq3A_134 : vector<64x2048xi1> to vector<64x2048xi32>
    %convert_element_type3A_136 = arith.sitofp %convert_element_type3A_135 : vector<64x2048xi32> to vector<64x2048xf32>
    %mul3A_137 = arith.mulf %mul3A_66, %convert_element_type3A_136 : vector<64x2048xf32>
    %mul3A_138 = arith.mulf %mul3A_70, %convert_element_type3A_136 : vector<64x2048xf32>
    %mul3A_139 = arith.mulf %mul3A_74, %convert_element_type3A_136 : vector<64x2048xf32>
    %mul3A_140 = arith.mulf %mul3A_78, %convert_element_type3A_136 : vector<64x2048xf32>
    %mul3A_141 = arith.mulf %mul3A_82, %convert_element_type3A_136 : vector<64x2048xf32>
    %mul3A_142 = arith.mulf %mul3A_86, %convert_element_type3A_136 : vector<64x2048xf32>
    %mul3A_143 = arith.mulf %mul3A_90, %convert_element_type3A_136 : vector<64x2048xf32>
    %mul3A_144 = arith.mulf %mul3A_94, %convert_element_type3A_136 : vector<64x2048xf32>
    %concatenate3A = tpu.concatenate %mul3A_98, %mul3A_99, %mul3A_100, %mul3A_101, %mul3A_102, %mul3A_103, %mul3A_104, %mul3A_105, %mul3A_111, %mul3A_112, %mul3A_113, %mul3A_114, %mul3A_115, %mul3A_116, %mul3A_117, %mul3A_118, %mul3A_124, %mul3A_125, %mul3A_126, %mul3A_127, %mul3A_128, %mul3A_129, %mul3A_130, %mul3A_131, %mul3A_137, %mul3A_138, %mul3A_139, %mul3A_140, %mul3A_141, %mul3A_142, %mul3A_143, %mul3A_144 in 0 : vector<64x2048xf32>, vector<64x2048xf32>, vector<64x2048xf32>, vector<64x2048xf32>, vector<64x2048xf32>, vector<64x2048xf32>, vector<64x2048xf32>, vector<64x2048xf32>, vector<64x2048xf32>, vector<64x2048xf32>, vector<64x2048xf32>, vector<64x2048xf32>, vector<64x2048xf32>, vector<64x2048xf32>, vector<64x2048xf32>, vector<64x2048xf32>, vector<64x2048xf32>, vector<64x2048xf32>, vector<64x2048xf32>, vector<64x2048xf32>, vector<64x2048xf32>, vector<64x2048xf32>, vector<64x2048xf32>, vector<64x2048xf32>, vector<64x2048xf32>, vector<64x2048xf32>, vector<64x2048xf32>, vector<64x2048xf32>, vector<64x2048xf32>, vector<64x2048xf32>, vector<64x2048xf32>, vector<64x2048xf32> -> vector<2048x2048xf32>
    %get3A_145 = arith.constant 0 : index
    %get3A_146 = arith.constant 0 : index
    %get3A_147 = vector.load %arg4[%get3A_145, %get3A_146] : memref<32x2048xf32, #tpu.memory_space<vmem>>, vector<32x2048xf32>
    %dot_general3A = arith.constant dense<0.000000e+00> : vector<32x2048xf32>
    %dot_general3A_148 = tpu.matmul %get3A_147, %concatenate3A, %dot_general3A {dimension_numbers = #tpu.dot_dimension_numbers<[1], [0], [0], [1], [0, 0, 1, 1], [], []>, transpose_lhs_hint = false} : vector<32x2048xf32>, vector<2048x2048xf32>, vector<32x2048xf32> -> vector<32x2048xf32>
    %get3A_149 = arith.constant 0 : index
    %get3A_150 = arith.constant 0 : index
    %get3A_151 = vector.load %arg2[%get3A_149, %get3A_150] : memref<1x2048xi32, #tpu.memory_space<vmem>>, vector<1x2048xi32>
    %get3A_152 = arith.constant 0 : index
    %get3A_153 = arith.constant 0 : index
    %get3A_154 = vector.load %arg3[%get3A_152, %get3A_153] : memref<64x32xf32, #tpu.memory_space<vmem>>, vector<16x32xf32>
    %dot_general3A_155 = arith.constant dense<0.000000e+00> : vector<16x2048xf32>
    %dot_general3A_156 = tpu.matmul %get3A_154, %dot_general3A_148, %dot_general3A_155 {dimension_numbers = #tpu.dot_dimension_numbers<[1], [0], [0], [1], [0, 0, 1, 1], [], []>, transpose_lhs_hint = false} : vector<16x32xf32>, vector<32x2048xf32>, vector<16x2048xf32> -> vector<16x2048xf32>
    %eq3A_157 = arith.constant 0 : i32
    %eq3A_158 = vector.broadcast %eq3A_157 : i32 to vector<1x2048xi32>
    %eq3A_159 = arith.cmpi eq, %get3A_151, %eq3A_158 : vector<1x2048xi32>
    %jit3A_160 = arith.constant 0.000000e+00 : f32
    %broadcast_in_dim3A_161 = vector.shape_cast %eq3A_159 : vector<1x2048xi1> to vector<1x2048xi1>
    %broadcast_in_dim3A_162 = vector.broadcast %broadcast_in_dim3A_161 : vector<1x2048xi1> to vector<16x2048xi1>
    %broadcast_in_dim3A_163 = vector.broadcast %jit3A_160 : f32 to vector<16x2048xf32>
    %select_n3A_164 = arith.select %broadcast_in_dim3A_162, %dot_general3A_156, %broadcast_in_dim3A_163 : vector<16x2048xi1>, vector<16x2048xf32>
    %get3A_165 = arith.constant 16 : index
    %get3A_166 = arith.constant 0 : index
    %get3A_167 = vector.load %arg3[%get3A_165, %get3A_166] : memref<64x32xf32, #tpu.memory_space<vmem>>, vector<16x32xf32>
    %dot_general3A_168 = arith.constant dense<0.000000e+00> : vector<16x2048xf32>
    %dot_general3A_169 = tpu.matmul %get3A_167, %dot_general3A_148, %dot_general3A_168 {dimension_numbers = #tpu.dot_dimension_numbers<[1], [0], [0], [1], [0, 0, 1, 1], [], []>, transpose_lhs_hint = false} : vector<16x32xf32>, vector<32x2048xf32>, vector<16x2048xf32> -> vector<16x2048xf32>
    %eq3A_170 = arith.constant 1 : i32
    %eq3A_171 = vector.broadcast %eq3A_170 : i32 to vector<1x2048xi32>
    %eq3A_172 = arith.cmpi eq, %get3A_151, %eq3A_171 : vector<1x2048xi32>
    %jit3A_173 = arith.constant 0.000000e+00 : f32
    %broadcast_in_dim3A_174 = vector.shape_cast %eq3A_172 : vector<1x2048xi1> to vector<1x2048xi1>
    %broadcast_in_dim3A_175 = vector.broadcast %broadcast_in_dim3A_174 : vector<1x2048xi1> to vector<16x2048xi1>
    %broadcast_in_dim3A_176 = vector.broadcast %jit3A_173 : f32 to vector<16x2048xf32>
    %select_n3A_177 = arith.select %broadcast_in_dim3A_175, %dot_general3A_169, %broadcast_in_dim3A_176 : vector<16x2048xi1>, vector<16x2048xf32>
    %add3A_178 = arith.addf %select_n3A_164, %select_n3A_177 : vector<16x2048xf32>
    %get3A_179 = arith.constant 32 : index
    %get3A_180 = arith.constant 0 : index
    %get3A_181 = vector.load %arg3[%get3A_179, %get3A_180] : memref<64x32xf32, #tpu.memory_space<vmem>>, vector<16x32xf32>
    %dot_general3A_182 = arith.constant dense<0.000000e+00> : vector<16x2048xf32>
    %dot_general3A_183 = tpu.matmul %get3A_181, %dot_general3A_148, %dot_general3A_182 {dimension_numbers = #tpu.dot_dimension_numbers<[1], [0], [0], [1], [0, 0, 1, 1], [], []>, transpose_lhs_hint = false} : vector<16x32xf32>, vector<32x2048xf32>, vector<16x2048xf32> -> vector<16x2048xf32>
    %eq3A_184 = arith.constant 2 : i32
    %eq3A_185 = vector.broadcast %eq3A_184 : i32 to vector<1x2048xi32>
    %eq3A_186 = arith.cmpi eq, %get3A_151, %eq3A_185 : vector<1x2048xi32>
    %jit3A_187 = arith.constant 0.000000e+00 : f32
    %broadcast_in_dim3A_188 = vector.shape_cast %eq3A_186 : vector<1x2048xi1> to vector<1x2048xi1>
    %broadcast_in_dim3A_189 = vector.broadcast %broadcast_in_dim3A_188 : vector<1x2048xi1> to vector<16x2048xi1>
    %broadcast_in_dim3A_190 = vector.broadcast %jit3A_187 : f32 to vector<16x2048xf32>
    %select_n3A_191 = arith.select %broadcast_in_dim3A_189, %dot_general3A_183, %broadcast_in_dim3A_190 : vector<16x2048xi1>, vector<16x2048xf32>
    %add3A_192 = arith.addf %add3A_178, %select_n3A_191 : vector<16x2048xf32>
    %get3A_193 = arith.constant 48 : index
    %get3A_194 = arith.constant 0 : index
    %get3A_195 = vector.load %arg3[%get3A_193, %get3A_194] : memref<64x32xf32, #tpu.memory_space<vmem>>, vector<16x32xf32>
    %dot_general3A_196 = arith.constant dense<0.000000e+00> : vector<16x2048xf32>
    %dot_general3A_197 = tpu.matmul %get3A_195, %dot_general3A_148, %dot_general3A_196 {dimension_numbers = #tpu.dot_dimension_numbers<[1], [0], [0], [1], [0, 0, 1, 1], [], []>, transpose_lhs_hint = false} : vector<16x32xf32>, vector<32x2048xf32>, vector<16x2048xf32> -> vector<16x2048xf32>
    %eq3A_198 = arith.constant 3 : i32
    %eq3A_199 = vector.broadcast %eq3A_198 : i32 to vector<1x2048xi32>
    %eq3A_200 = arith.cmpi eq, %get3A_151, %eq3A_199 : vector<1x2048xi32>
    %jit3A_201 = arith.constant 0.000000e+00 : f32
    %broadcast_in_dim3A_202 = vector.shape_cast %eq3A_200 : vector<1x2048xi1> to vector<1x2048xi1>
    %broadcast_in_dim3A_203 = vector.broadcast %broadcast_in_dim3A_202 : vector<1x2048xi1> to vector<16x2048xi1>
    %broadcast_in_dim3A_204 = vector.broadcast %jit3A_201 : f32 to vector<16x2048xf32>
    %select_n3A_205 = arith.select %broadcast_in_dim3A_203, %dot_general3A_197, %broadcast_in_dim3A_204 : vector<16x2048xi1>, vector<16x2048xf32>
    %add3A_206 = arith.addf %add3A_192, %select_n3A_205 : vector<16x2048xf32>
    %swap3A = arith.constant 0 : index
    %swap3A_207 = arith.constant 0 : index
    %swap3A_208 = vector.load %arg5[%swap3A, %swap3A_207] : memref<16x2048xf32, #tpu.memory_space<vmem>>, vector<16x2048xf32>
    tpu.vector_store %arg5[%swap3A, %swap3A_207], %add3A_206 {strides = array<i32>} : memref<16x2048xf32, #tpu.memory_space<vmem>>, vector<16x2048xf32>,
    return
  }
  func.func @transform_0(%arg0: i32) -> (i32, i32) {
    %c0_i32 = arith.constant 0 : i32
    %c0_i32_0 = arith.constant 0 : i32
    return %c0_i32, %arg0 : i32, i32
  }
  func.func @transform_1(%arg0: i32) -> (i32, i32) {
    %c0_i32 = arith.constant 0 : i32
    %c0_i32_0 = arith.constant 0 : i32
    return %c0_i32, %arg0 : i32, i32
  }
  func.func @transform_2(%arg0: i32) -> (i32, i32) {
    %c0_i32 = arith.constant 0 : i32
    %c0_i32_0 = arith.constant 0 : i32
    %c0_i32_1 = arith.constant 0 : i32
    return %c0_i32, %c0_i32_0 : i32, i32
  }
  func.func @transform_3(%arg0: i32) -> (i32, i32) {
    %c0_i32 = arith.constant 0 : i32
    %c0_i32_0 = arith.constant 0 : i32
    %c0_i32_1 = arith.constant 0 : i32
    return %c0_i32, %c0_i32_0 : i32, i32
  }
  func.func @transform_4(%arg0: i32) -> (i32, i32) {
    %c0_i32 = arith.constant 0 : i32
    %c0_i32_0 = arith.constant 0 : i32
    return %c0_i32, %arg0 : i32, i32
  }
}

</mosaic_0001>

<sc_bundles>
// kernel: kernel.4.cloned.1.call-start
scs
__scs_entry_jumppad:
0x0: {  	(pc) =	sbr.rel $0x88, $3  }
0x1: {  	(tag) =	ssettag $0x0;
	lr =	simm.s32 $0x1  }
0x2: {  	[smem:$0x3F9D] =	sst lr;
	_ =	strace $0xD0000000  }
0x3: {  	_ = 	snop  }
0x4: {  	_ = 	snop  }
0x5: {  	_ = 	snop  }
0x6: {  	_ = 	snop  }
0x7: {  	_ = 	snop  }
__scs_overlays_trampoline_lowered:
0x8: {  	[smem:$0x3FAC] =	sst s0  }
0x9: {  	[smem:$0x3FAD] =	sst s1  }
0xa: {  	[smem:$0x3FAE] =	sst s2  }
0xb: {  	[smem:$0x3FAF] =	sst s3  }
0xc: {  	[smem:$0x3FB0] =	sst s4  }
0xd: {  	[smem:$0x3FB1] =	sst s5  }
0xe: {  	[smem:$0x3FB2] =	sst s6  }
0xf: {  	[smem:$0x3FB3] =	sst s7  }
0x10: {  	[smem:$0x3FB4] =	sst s8  }
0x11: {  	[smem:$0x3FB5] =	sst s9;
	s0 =	simm.s32 @!p0 $0x0  }
0x12: {  	s1 =	sld [smem:$0x3F9B];
	s0 =	simm.s32 @p0 $0x1  }
0x13: {  	[smem:$0x3FB6] =	sst s0;
	s0 =	simm.s32 @!p1 $0x0  }
0x14: {  	s2 =	sld [smem:$0x3F9A];
	s0 =	simm.s32 @p1 $0x1  }
0x15: {  	[smem:$0x3FB7] =	sst s0;
	s0 =	simm.s32 @!p2 $0x0  }
0x16: {  	s3 =	sld [smem:$0x3FDB];
	s0 =	simm.s32 @p2 $0x1  }
0x17: {  	s4 =	simm.s32 $0x1BF5;
	[smem:$0x3FB9] =	sst s0  }
0x18: {  	s0 =	sld [smem:$0x3F9C];
	_ =	swait.ge [sflag:s4], $0x0  }
0x19: {  	s7 =	sld [smem:$0x3F9D]  }
0x1a: {  	s8 =	sadd.s32 $0xFFFFE003, lr  }
0x1b: {  	s9 =	sadd.s32 $0xFFFFFEF7, lr;
	s5 =	simm.s32 $0xFFFFFFFF;
	p2 =	slt.u32 s8, $0xFFFFF086  }
0x1c: {  	p1 =	slt.u32 s9, $0xF7A;
	s5 =	simm.s32 @!p2 $0x0  }
0x1d: {  	s5 =	simm.s32 @p1 $0x1;
	p0 =	seq.s32 s7, s2  }
0x1e: {  	s7 =	smul.u32 @!p0 $0xF7A, s2;
	p2 =	seq.s32 @!p0 s5, $0x0  }
0x1f: {  	s9 =	smul.u32 $0xF7A, s1;
	s8 =	simm.s32 @!p0 $0x1BF5;
	p2 =	por !p2, p0  }
0x20: {  	[sflag:s8] =	ssyncset.s32 @!p0 $0xFFFFF086;
	s6 =	sadd.s32 @!p0 s3, s7;
	s7 =	simm.s32 @!p0 $0x108  }
0x21: {  	s3 =	sadd.s32 s3, s9;
	s6 =	sadd.s32 @!p0 $0x88, s6;
	s7 =	simm.s32 @p2 $0x1082  }
0x22: {  	[simem:s7], [sflag:s8] =	dma.local @!p0 [hbm:s6], $0xF7A  }
0x23: {  	s9 =	sor.u32 $0xD0000000, s2;
	s6 =	simm.s32 $0x108;
	_ =	swait.ge @!p0 [sflag:s8], $0x0  }
0x24: {  	s3 =	sadd.s32 $0x88, s3;
	s6 =	simm.s32 @!p1 $0x1082;
	[sflag:s4] =	ssyncset.s32 $0xFFFFF086  }
0x25: {  	[simem:s6], [sflag:s4] =	dma.local [hbm:s3], $0xF7A  }
0x26: {  	[smem:$0x3F9D] =	sst s1;
	(tag) =	ssettag s2;
	_ =	strace s9  }
0x27: {  	s1 =	sld [smem:$0x3FAD]  }
0x28: {  	s2 =	sld [smem:$0x3FAE]  }
0x29: {  	s4 =	sld [smem:$0x3FB0]  }
0x2a: {  	p0 =	seq.s32 s5, $0x0;
	s5 =	sld [smem:$0x3FB1]  }
0x2b: {  	s6 =	sld [smem:$0x3FB2]  }
0x2c: {  	s7 =	sld [smem:$0x3FB3]  }
0x2d: {  	s3 =	simm.s32 $0x108;
	s8 =	sld [smem:$0x3FB4]  }
0x2e: {  	s3 =	simm.s32 @!p0 $0x1082;
	s9 =	sld [smem:$0x3FB5]  }
0x2f: {  	lr =	sadd.s32 s0, s3;
	s0 =	sld [smem:$0x3FAC]  }
0x30: {  	s3 =	sld [smem:$0x3FAF]  }
0x31: {  	[smem:$0x3FB8] =	sst s10  }
0x32: {  	s10 =	sld [smem:$0x3FB6];
	_ =	sdelay $0x3  }
0x33: {  	p0 =	seq.s32 s10, $0x1;
	s10 =	sld [smem:$0x3FB8];
	_ =	sdelay $0x3  }
0x34: {  	[smem:$0x3FB8] =	sst s10  }
0x35: {  	s10 =	sld [smem:$0x3FB7];
	_ =	sdelay $0x3  }
0x36: {  	p1 =	seq.s32 s10, $0x1;
	s10 =	sld [smem:$0x3FB8];
	_ =	sdelay $0x3  }
0x37: {  	[smem:$0x3FB8] =	sst s10  }
0x38: {  	s10 =	sld [smem:$0x3FB9]  }
0x39: {  	_ = 	snop;
	(pc) =	sbr.ind lr, $3  }
0x3a: {  	_ = 	snop  }
0x3b: {  	_ = 	snop  }
0x3c: {  	p2 =	seq.s32 s10, $0x1;
	s10 =	sld [smem:$0x3FB8]  }
0x3d: {  	_ =	shalt  }
0x3e: {  	_ =	shalt  }
0x3f: {  	_ =	shalt  }
0x40: {  	_ =	shalt  }
0x41: {  	_ =	shalt  }
0x42: {  	_ =	shalt  }
0x43: {  	_ =	shalt  }
0x44: {  	_ =	shalt  }
0x45: {  	_ =	shalt  }
0x46: {  	_ =	shalt  }
0x47: {  	_ =	shalt  }
0x48: {  	_ =	shalt  }
0x49: {  	_ =	shalt  }
0x4a: {  	_ =	shalt  }
0x4b: {  	_ =	shalt  }
0x4c: {  	_ =	shalt  }
0x4d: {  	_ =	shalt  }
0x4e: {  	_ =	shalt  }
0x4f: {  	_ =	shalt  }
0x50: {  	_ =	shalt  }
0x51: {  	_ =	shalt  }
0x52: {  	_ =	shalt  }
0x53: {  	_ =	shalt  }
0x54: {  	_ =	shalt  }
0x55: {  	_ =	shalt  }
0x56: {  	_ =	shalt  }
0x57: {  	_ =	shalt  }
0x58: {  	_ =	shalt  }
0x59: {  	_ =	shalt  }
0x5a: {  	_ =	shalt  }
0x5b: {  	_ =	shalt  }
0x5c: {  	_ =	shalt  }
0x5d: {  	_ =	shalt  }
0x5e: {  	_ =	shalt  }
0x5f: {  	_ =	shalt  }
0x60: {  	_ =	shalt  }
0x61: {  	_ =	shalt  }
0x62: {  	_ =	shalt  }
0x63: {  	_ =	shalt  }
0x64: {  	_ =	shalt  }
0x65: {  	_ =	shalt  }
0x66: {  	_ =	shalt  }
0x67: {  	_ =	shalt  }
0x68: {  	_ =	shalt  }
0x69: {  	_ =	shalt  }
0x6a: {  	_ =	shalt  }
0x6b: {  	_ =	shalt  }
0x6c: {  	_ =	shalt  }
0x6d: {  	_ =	shalt  }
0x6e: {  	_ =	shalt  }
0x6f: {  	_ =	shalt  }
0x70: {  	_ =	shalt  }
0x71: {  	_ =	shalt  }
0x72: {  	_ =	shalt  }
0x73: {  	_ =	shalt  }
0x74: {  	_ =	shalt  }
0x75: {  	_ =	shalt  }
0x76: {  	_ =	shalt  }
0x77: {  	_ =	shalt  }
0x78: {  	_ =	shalt  }
0x79: {  	_ =	shalt  }
0x7a: {  	_ =	shalt  }
0x7b: {  	_ =	shalt  }
0x7c: {  	_ =	shalt  }
0x7d: {  	_ =	shalt  }
0x7e: {  	_ =	shalt  }
0x7f: {  	_ =	shalt  }
0x80: {  	_ =	shalt  }
0x81: {  	_ =	shalt  }
0x82: {  	_ =	shalt  }
0x83: {  	_ =	shalt  }
0x84: {  	_ =	shalt  }
0x85: {  	_ =	shalt  }
0x86: {  	_ =	shalt  }
0x87: {  	_ =	shalt  }
.Lfunc_end0:
.L_simem_size_0:
called_computation_lowered:
.L_overlay_start_0:
0x88: {  	s2 =	sld [smem:$0x3FD9]  }
0x89: {  	s3 =	sld [smem:$0x3FFE];
	_ =	sdelay $0x1  }
0x8a: {  	s1 =	srdreg.scid  }
0x8b: {  	s0 =	sand.u32 $0x1, s1  }
0x8c: {  	s17 =	sshll.u32 s0, $0xA;
	s2 =	sadd.s32 s3, s2  }
0x8d: {  	s2 =	sadd.s32 s2, s17  }
0x8e: {  	[smem:$0x3FC4] =	sst s2  }
0x8f: {  	_ = 	snop  }
0x90: {  	s2 =	sld [smem:$0x3FD0];
	(tm) =	ssettm $0x1  }
0x91: {  	s18 =	sld [smem:$0x3FFB];
	_ =	sdelay $0x3  }
0x92: {  	_ =	strace s18  }
0x93: {  	s3 =	sld [smem:$0x3FFC];
	_ =	sdelay $0x3  }
0x94: {  	_ =	strace s3  }
0x95: {  	s3 =	sld [smem:$0x3FFD];
	_ =	sdelay $0x3  }
0x96: {  	_ =	strace s3  }
0x97: {  	_ =	strace $0x8FFFFFFF  }
0x98: {  	s19 =	sld [smem:$0x3FDB];
	_ =	sdelay $0x1  }
0x99: {  	s4 =	simm.s32 $_scs_section_size  }
0x9a: {  	s5 =	simm.s32 $_size__tile_overlayer_lowered;
	s6 =	simm.s32 $_tile_overlayer_lowered  }
0x9b: {  	s22 =	simm.s32 $0x1BFF;
	s21 =	sshll.u32 s6, $0x1;
	s3 =	sadd.s32 s4, s19  }
0x9c: {  	s7 =	simm.s32 $0x0;
	s20 =	sshll.u32 s5, $0x1;
	s5 =	sadd.s32 s21, s3  }
0x9d: {  	[timem:s7], [sflag:s22] =	dma.local [hbm:s5], s20  }
0x9e: {  	_ =	swait.ge [sflag:s22], s20  }
0x9f: {  	s4 =	ssub.s32 $0x0, s20;
	[sflag:s22] =	ssyncset.done $0x0  }
0xa0: {  	[sflag:s22] =	ssyncadd.s32 s4;
	_ =	sdelay $0x1  }
0xa1: {  	s23 =	simm.s32 $0x1B8B  }
0xa2: {  	_ =	swait.ge [sflag:s23], $0x1  }
0xa3: {  	[sflag:s23] =	ssyncset.done $0x0  }
0xa4: {  	s25 =	simm.s32 $0x1B8E;
	s24 =	sld [smem:$0x3FFE];
	[sflag:s23] =	ssyncadd.s32 $0xFFFFFFFF  }
0xa5: {  	s26 =	simm.s32 $execute0_lowered;
	[smem:$0x3FD2] =	sst s25  }
0xa6: {  	s5 =	sshll.u32 s26, $0x1;
	_ =	strace $0x80000046;
	[dreg:$0x1] =	wrdreg $0xFFFFFFFF  }
0xa7: {  	s28 =	simm.s32 $_size_execute0_lowered;
	s3 =	sadd.s32 s3, s5;
	[dreg:$0x0] =	wrdreg $0x0  }
0xa8: {  	s5 =	sshll.u32 s28, $0x1;
	[dreg:$0x2] =	wrdreg s3  }
0xa9: {  	[dreg:$0x3] =	wrdreg s5  }
0xaa: {  	[dreg:$0x4] =	wrdreg $0xC0  }
0xab: {  	_ =	task [dreg:s7], $0x5FFFF  }
0xac: {  	[dreg:$0x1] =	wrdreg $0xFFFFFFFF  }
0xad: {  	[dreg:$0x0] =	wrdreg $0x60  }
0xae: {  	[dreg:$0x2] =	wrdreg s2  }
0xaf: {  	[dreg:$0x3] =	wrdreg s24  }
0xb0: {  	[dreg:$0x4] =	wrdreg $0x9  }
0xb1: {  	_ =	task.clear_ibuf [dreg:s7], $0x5FFFF;
	_ =	strace $0x90000046  }
0xb2: {  	s29 =	simm.s32 $0x9;
	_ =	strace $0x80000048  }
0xb3: {  	_ =	swait.ge [sflag:s29], $0x1  }
0xb4: {  	[sflag:s29] =	ssyncadd.s32 $0xFFFFFFFF  }
0xb5: {  	_ =	strace $0x90000048  }
0xb6: {  	_ =	sfence  }
0xb7: {  	s30 =	sld [smem:$0x0];
	_ =	sdelay $0x2  }
0xb8: {  	s31 =	sshll.u32 s1, $0xD;
	s1 =	sshrl.u32 s1, $0x2  }
0xb9: {  	s3 =	sand.u32 $0x4000, s31;
	s1 =	sadd.s32 s1, s30  }
0xba: {  	s0 =	sor.u32 s3, s0;
	s1 =	sshll.u32 s1, $0x11  }
0xbb: {  	s0 =	sor.u32 s1, s0  }
0xbc: {  	s0 =	sadd.s32 $0x8F2B, s0  }
0xbd: {  	[sflag:s0] =	ssyncadd.remote.s32 $0x1  }
0xbe: {  	_ =	sfence.sel $0xFFFF  }
0xbf: {  	[dreg:$0x0] =	wrdreg $0xFFFFFFFF;
	(pc) =	sbr.abs _section_cstart, $3  }
0xc0: {  	[dreg:$0x1] =	wrdreg $0xFFFFFFFF  }
0xc1: {  	_ =	task.clear_ibuf [dreg:s7], $0x2FFFF;
	_ =	strace $0x9FFFFFFF  }
0xc2: {  	(tm) =	ssettm $0x7FFFFFFF  }
0xc3: {  	_ =	shalt  }
tec
execute0_lowered:
.L_overlay_start_1:
0x0: {  	(tag) =	ssettag $0x1  }
0x1: {  	s1 =	srdreg.scid;
	s2 =	rddreg [dreg:$0x0]  }
0x2: {  	s0 =	stileid.u32;
	s3 =	rddreg [dreg:$0x1]  }
0x3: {  	s4 =	simm.s32 $0x0;
	s5 =	sand.u32 $0x1, s1;
	s30 =	sshll.u32 s0, $0x1  }
0x4: {  	s10 =	simm.s32 $0x2800;
	s11 =	simm.s32 $0x5000;
	s1 =	sor.u32 s5, s30  }
0x5: {  	s12 =	simm.s32 $0x140;
	s13 =	simm.s32 $0x7800;
	s15 =	smul.u32 $0x140, s1  }
0x6: {  	s14 =	simm.s32 $0xC800;
	[smem:$0x7FF] =	sst s4;
	s7 =	ssub.s32 $0x2, s5  }
0x7: {  	s5 =	sadd.s32 $0x600, s3;
	s1 =	rddreg [dreg:$0x2];
	s6 =	sshrl.u32 s15, $0x3  }
0x8: {  	_ =	strace $0x80000047;
	s31 =	sshrl.u32 s7, $0x1;
	s8 =	sadd.s32 s6, s3  }
0x9: {  	s9 =	ssub.s32 s7, s31;
	v0 =	vmov s15;
	s15 =	simm.s32 $0x0;
	s6 =	sadd.s32 $0xC00, s8  }
0xa: {  	s7 =	sadd.s32 $0x14C00, s8;
	s8 =	smax.u32 s9, $0x1;
	s9 =	simm.s32 $0x1  }
.LBB2_1:
0xb: {  	[tilespmem:s4], [sflag:$0x1] =	stream.linear.gather [hbm4b:s2+s4], $0x2800, $0x38;
	[tilespmem:$0x11800] =	vst v63  }
0xc: {  	_ =	swait.ge [sflag:s9], $0x2800  }
0xd: {  	[sflag:s9] =	ssyncset.done $0x0  }
0xe: {  	[sflag:s9] =	ssyncadd.s32 $0xFFFFD800  }
0xf: {  	[tilespmem:s10], [sflag:$0x1] =	stream.linear.gather [hbm4b:s5+s4], $0x2800, $0x38;
	[tilespmem:$0x11800] =	vst v63  }
0x10: {  	_ =	swait.ge [sflag:s9], $0x2800  }
0x11: {  	[sflag:s9] =	ssyncset.done $0x0  }
0x12: {  	[sflag:s9] =	ssyncadd.s32 $0xFFFFD800  }
0x13: {  	[tilespmem:s11], [sflag:$0x1] =	stream.linear.gather [hbm4b:s3+s4], $0x2800, $0x38;
	[tilespmem:$0x11800] =	vst v63  }
0x14: {  	_ =	swait.ge [sflag:s9], $0x2800  }
0x15: {  	[sflag:s9] =	ssyncset.done $0x0  }
0x16: {  	[sflag:s9] =	ssyncadd.s32 $0xFFFFD800  }
0x17: {  	[tilespmem:s13], [sflag:$0x1] =	stream.strided.gather [hbm4b:s6+s12], $0x5000, s10, s12, $0x38;
	[tilespmem:$0x11800] =	vst v63  }
0x18: {  	_ =	swait.ge [sflag:s9], $0x5000  }
0x19: {  	s16 =	simm.s32 $0x7A80;
	[sflag:s9] =	ssyncset.done $0x0  }
0x1a: {  	s17 =	simm.s32 $0xCA80;
	s18 =	simm.s32 $0x0;
	[sflag:s9] =	ssyncadd.s32 $0xFFFFB000  }
.LBB2_2:
0x1b: {  	_ =	sdelay $0x2  }
0x1c: {  	s19 =	sshll.u32 s18, $0x4  }
0x1d: {  	v1 =	vld.idx.msk [tilespmem:v0+s19+$0x0 ss:$0x1], $0xffff  }
0x1e: {  	v2 =	vld.idx.msk [tilespmem:v0+s19+$0x2800 ss:$0x1], $0xffff  }
0x1f: {  	s20 =	smov.u32 s17;
	s21 =	smov.u32 s16;
	v3 =	vld.idx.msk [tilespmem:v0+s19+$0x5000 ss:$0x1], $0xffff;
	s19 =	simm.s32 $0xFFFFFFFC  }
.LBB2_3:
0x20: {  	v4 =	vld [tilespmem:s21+$0xFFFFFD80];
	_ =	sdelay $0x7  }
0x21: {  	v5 =	vld.idx.msk [tilespmem:v4+s4+$0x0], $0xffff  }
0x22: {  	v6 =	vld.idx.msk [tilespmem:v4+s10+$0x0], $0xffff;
	_ =	sdelay $0x1  }
0x23: {  	v4 =	vld.idx.msk [tilespmem:v4+s11+$0x0], $0xffff;
	_ =	sdelay $0x2  }
0x24: {  	v7 =	vsub.f32 v5, v1;
	v6 =	vsub.f32 v6, v2;
	_ =	sdelay $0x1  }
0x25: {  	v4 =	vsub.f32 v4, v3;
	v7 =	vmul.f32 v7, v7;
	v6 =	vmul.f32 v6, v6;
	_ =	sdelay $0x1  }
0x26: {  	v4 =	vmul.f32 v4, v4;
	v6 =	vadd.f32 v6, v7;
	_ =	sdelay $0x1  }
0x27: {  	v4 =	vadd.f32 v4, v6;
	_ =	sdelay $0x1  }
0x28: {  	v5 =	vand.u32 $0x3, v5;
	v4 =	vand.u32 $0xFFFFFFFC, v4  }
0x29: {  	v4 =	vor.u32 v5, v4  }
0x2a: {  	[tilespmem:s20+$0xFFFFFD80] =	vst v4  }
0x2b: {  	v4 =	vld [tilespmem:s21+$0xFFFFFEC0];
	_ =	sdelay $0x7  }
0x2c: {  	v5 =	vld.idx.msk [tilespmem:v4+s4+$0x0], $0xffff  }
0x2d: {  	v58 =	vld.idx.msk [tilespmem:v4+s10+$0x0], $0xffff;
	_ =	sdelay $0x1  }
0x2e: {  	v4 =	vld.idx.msk [tilespmem:v4+s11+$0x0], $0xffff;
	_ =	sdelay $0x2  }
0x2f: {  	v59 =	vsub.f32 v5, v1;
	v6 =	vsub.f32 v58, v2;
	_ =	sdelay $0x1  }
0x30: {  	v4 =	vsub.f32 v4, v3;
	v7 =	vmul.f32 v59, v59;
	v6 =	vmul.f32 v6, v6;
	_ =	sdelay $0x1  }
0x31: {  	v4 =	vmul.f32 v4, v4;
	v6 =	vadd.f32 v6, v7;
	_ =	sdelay $0x1  }
0x32: {  	v4 =	vadd.f32 v4, v6;
	_ =	sdelay $0x1  }
0x33: {  	v5 =	vand.u32 $0x3, v5;
	v4 =	vand.u32 $0xFFFFFFFC, v4  }
0x34: {  	v4 =	vor.u32 v5, v4  }
0x35: {  	[tilespmem:s20+$0xFFFFFEC0] =	vst v4  }
0x36: {  	v4 =	vld [tilespmem:s21+$0x0];
	_ =	sdelay $0x7  }
0x37: {  	v5 =	vld.idx.msk [tilespmem:v4+s4+$0x0], $0xffff  }
0x38: {  	v60 =	vld.idx.msk [tilespmem:v4+s10+$0x0], $0xffff;
	_ =	sdelay $0x1  }
0x39: {  	v4 =	vld.idx.msk [tilespmem:v4+s11+$0x0], $0xffff;
	_ =	sdelay $0x2  }
0x3a: {  	v61 =	vsub.f32 v5, v1;
	v6 =	vsub.f32 v60, v2;
	_ =	sdelay $0x1  }
0x3b: {  	v4 =	vsub.f32 v4, v3;
	v7 =	vmul.f32 v61, v61;
	v6 =	vmul.f32 v6, v6;
	_ =	sdelay $0x1  }
0x3c: {  	v4 =	vmul.f32 v4, v4;
	v6 =	vadd.f32 v6, v7;
	_ =	sdelay $0x1  }
0x3d: {  	v4 =	vadd.f32 v4, v6;
	_ =	sdelay $0x1  }
0x3e: {  	v5 =	vand.u32 $0x3, v5;
	v4 =	vand.u32 $0xFFFFFFFC, v4  }
0x3f: {  	v4 =	vor.u32 v5, v4  }
0x40: {  	[tilespmem:s20+$0x0] =	vst v4  }
0x41: {  	v4 =	vld [tilespmem:s21+$0x140];
	_ =	sdelay $0x7  }
0x42: {  	v5 =	vld.idx.msk [tilespmem:v4+s4+$0x0], $0xffff  }
0x43: {  	v62 =	vld.idx.msk [tilespmem:v4+s10+$0x0], $0xffff;
	_ =	sdelay $0x1  }
0x44: {  	v4 =	vld.idx.msk [tilespmem:v4+s11+$0x0], $0xffff;
	_ =	sdelay $0x2  }
0x45: {  	v63 =	vsub.f32 v5, v1;
	v6 =	vsub.f32 v62, v2;
	_ =	sdelay $0x1  }
0x46: {  	v4 =	vsub.f32 v4, v3;
	v7 =	vmul.f32 v63, v63;
	v6 =	vmul.f32 v6, v6;
	_ =	sdelay $0x1  }
0x47: {  	s19 =	sadd.s32 $0x4, s19;
	v4 =	vmul.f32 v4, v4;
	v6 =	vadd.f32 v6, v7  }
0x48: {  	p0 =	slt.u32 s19, $0x3C  }
.Ltmp0:
0x49: {  	v4 =	vadd.f32 v4, v6;
	(pc) =	sbr.rel @p0 .LBB2_3-.Ltmp0, $4  }
0x4a: {  	_ = 	snop  }
0x4b: {  	v5 =	vand.u32 $0x3, v5;
	v4 =	vand.u32 $0xFFFFFFFC, v4  }
0x4c: {  	v4 =	vor.u32 v5, v4  }
0x4d: {  	s21 =	sadd.s32 $0x500, s21;
	[tilespmem:s20+$0x140] =	vst v4;
	s20 =	sadd.s32 $0x500, s20  }
0x4e: {  	s18 =	sadd.s32 $0x1, s18  }
0x4f: {  	p0 =	sne.s32 s18, $0x14  }
.Ltmp1:
0x50: {  	_ = 	snop;
	(pc) =	sbr.rel @p0 .LBB2_2-.Ltmp1, $2  }
0x51: {  	_ =	sdelay $0x2  }
0x52: {  	s16 =	sadd.s32 $0x10, s16;
	s17 =	sadd.s32 $0x10, s17  }
0x53: {  	s15 =	sadd.s32 $0x1, s15  }
0x54: {  	p0 =	sne.s32 s15, s8  }
.Ltmp2:
0x55: {  	_ = 	snop;
	(pc) =	sbr.rel @p0 .LBB2_1-.Ltmp2, $4  }
0x56: {  	[hbm4b:s7+s12] =	stream.strided.scatter [tilespmem:s14], [sflag:$0x1], $0x5000, s10, s12, $0x38;
	[tilespmem:$0x11800] =	vst v63  }
0x57: {  	_ =	swait.ge [sflag:s9], $0x5000  }
0x58: {  	[sflag:s9] =	ssyncset.done $0x0  }
0x59: {  	[sflag:s9] =	ssyncadd.s32 $0xFFFFB000  }
0x5a: {  	_ =	sfence.sel $0x180000  }
0x5b: {  	[bflag:$0x0] =	sbarrier.arrive $0xFFFF  }
0x5c: {  	p0 =	sne.s32 s0, $0x0;
	_ =	strace $0x90000047  }
0x5d: {  	s0 =	sadd.s32 @!p0 $0x100000, s1;
	[bflag:$0x2] =	sbarrier.arrive $0xFFFF  }
0x5e: {  	[sflag:s0] =	ssyncadd.tile.s32 @!p0 $0x1;
	_ =	shalt  }
.Lfunc_end2:
_tile_overlayer_lowered:
.L_overlay_start_2:
0x5f: {  	(tag) =	ssettag $0x2  }
0x60: {  	s0 =	rddreg [dreg:$0x0];
	s2 =	stileid.u32  }
0x61: {  	s1 =	rddreg [dreg:$0x1];
	p0 =	sne.s32 s2, $0x0  }
0x62: {  	s3 =	rddreg [dreg:$0x2];
	[bflag:$0x3] =	sbarrier.arrive $0xFFFF;
	s2 =	simm.s32 @!p0 $0x1C01  }
0x63: {  	[timem:s3], [sflag:s2] =	dma.local @!p0 [hbm:s0], s1  }
0x64: {  	s0 =	simm.s32 @!p0 $0x1  }
0x65: {  	_ =	swait.ge @!p0 [sflag:s0], s1  }
0x66: {  	s1 =	ssub.s32 @!p0 $0x0, s1;
	[sflag:s0] =	ssyncset.done @!p0 $0x0  }
0x67: {  	[sflag:s0] =	ssyncadd.s32 @!p0 s1  }
0x68: {  	[bflag:$0x3] =	sbarrier.arrive $0xFFFF  }
0x69: {  	_ =	shalt  }

</sc_bundles>
